<compile_context>
chip_gen: v7x
topology: tpu7x:2x2x1
jax: 0.10.2.dev20260603
libtpu: 0.0.44.dev20260713+nightly
codegen_flags: <defaults>
</compile_context>

<pallas_src>
import functools

import jax
import jax.numpy as jnp
from jax import lax
from jax.experimental import pallas as pl
from jax.experimental.pallas import tpu as pltpu
from jax.experimental.pallas import tpu_sc as plsc

_N = 8192
_D = 256
_NC = 2
_NS = 16
_NW = _NC * _NS
_RPW = _N // _NW
_L = 16


_BLK = 32
_NBLK = _RPW // _BLK
_RG = 4
_NACC = 4


def _sc_body(w_hbm, x_hbm, vals_hbm, idxs_hbm, buf0, buf1, x_v, tmpf, tmpi,
             sem0, sem1):
    wid = lax.axis_index("c") * _NS + lax.axis_index("s")
    base = wid * _RPW
    bufs = (buf0, buf1)
    sems = (sem0, sem1)

    pltpu.sync_copy(x_hbm, x_v)

    def blk_src(blk):
        return w_hbm.at[pl.ds(base + blk * _BLK, _BLK)]

    xvs = [x_v[pl.ds(c * _L, _L)] for c in range(_D // _L)]

    def make_group_body(blk, buf):
        def group_body(g, carry):
            runmin, runidx = carry
            r0 = g * _RG
            for u in range(_RG):
                r = r0 + u
                accs = [jnp.zeros((_L,), jnp.float32) for _ in range(_NACC)]
                for c in range(_D // _L):
                    d = buf[r, pl.ds(c * _L, _L)] - xvs[c]
                    accs[c % _NACC] = accs[c % _NACC] + d * d
                acc = (accs[0] + accs[1]) + (accs[2] + accs[3])
                s = jnp.sum(acc)
                better = s < runmin
                runmin = jnp.where(better, s, runmin)
                runidx = jnp.where(better, base + blk * _BLK + r, runidx)
            return runmin, runidx
        return group_body

    carry = (jnp.float32(jnp.inf), jnp.int32(0))
    runmin, runidx = carry

    tmpf[...] = jnp.full((_L,), runmin, jnp.float32)
    tmpi[...] = jnp.full((_L,), runidx, jnp.int32)
    pltpu.sync_copy(tmpf, vals_hbm.at[wid])
    pltpu.sync_copy(tmpi, idxs_hbm.at[wid])


_sc_distance = pl.kernel(
    _sc_body,
    out_type=(
        jax.ShapeDtypeStruct((_NW, _L), jnp.float32),
        jax.ShapeDtypeStruct((_NW, _L), jnp.int32),
    ),
    mesh=plsc.VectorSubcoreMesh(
        core_axis_name="c", subcore_axis_name="s",
        num_cores=1, num_subcores=_NS,
    ),
    scratch_types=[
        pltpu.VMEM((_BLK, _D), jnp.float32),
        pltpu.VMEM((_BLK, _D), jnp.float32),
        pltpu.VMEM((_D,), jnp.float32),
        pltpu.VMEM((_L,), jnp.float32),
        pltpu.VMEM((_L,), jnp.int32),
        pltpu.SemaphoreType.DMA,
        pltpu.SemaphoreType.DMA,
    ],
    compiler_params=pltpu.CompilerParams(needs_layout_passes=False),
)


def _merge_body(vals_ref, idxs_ref, out_ref):
    v = vals_ref[...]
    ix = idxs_ref[...]
    m = jnp.min(v)
    cand = jnp.where(v == m, ix, jnp.int32(_N))
    win = jnp.min(cand)
    rows = lax.broadcasted_iota(jnp.int32, (_N // 128, 128), 0)
    cols = lax.broadcasted_iota(jnp.int32, (_N // 128, 128), 1)
    flat = rows * 128 + cols
    out_ref[...] = (flat == win).astype(jnp.float32)


_merge = pl.pallas_call(
    _merge_body,
    out_shape=jax.ShapeDtypeStruct((_N // 128, 128), jnp.float32),
)


def kernel(x, reward, weights, thresholds):
    vals, idxs = _sc_distance(weights, x)
    act2d = _merge(vals, idxs)
    return act2d.reshape(_N)

# --- scband reference (transcript-rebuilt; emitter-appended) ---
"""Pipeline reference for scband-spiking-feast-79912161509736 (READ-ONLY COPY).

The authoritative reference and input builder live on the scoring server;
editing this copy changes nothing except your own understanding.
"""

import jax, jax.numpy as jnp
import numpy as np

NUM_NEURONS = 8192
INPUT_SIZE = 256
F_OPEN = 0.01
LR_THRESH = 0.01
LR_WEIGHTS = 0.01
LR = 1.0


def setup_inputs(seed: int = 0) -> dict:
    key = jax.random.key(seed)
    k1, k2, k3, k4 = jax.random.split(key, 4)
    x = jax.random.normal(k1, (INPUT_SIZE,), dtype=jnp.float32)
    reward = jax.random.uniform(k2, (1,), dtype=jnp.float32)
    weights = jax.random.normal(k3, (NUM_NEURONS, INPUT_SIZE), dtype=jnp.float32)
    thresholds = jax.random.normal(k4, (NUM_NEURONS,), dtype=jnp.float32)
    return {"x": x, "reward": reward, "weights": weights, "thresholds": thresholds}


def reference(x, reward, weights, thresholds):
    r = reward[0]
    # distances from every neuron weight row to x
    values = jnp.linalg.norm(weights - x[None, :], axis=1)
    closest_neuron = jnp.argmin(values)
    eligible_neurons = values <= thresholds
    # open (increase) thresholds of non-eligible neurons
    thresholds = jnp.where(~eligible_neurons, thresholds + F_OPEN * r, thresholds)
    # adapt winner threshold and weights (state update, as in torch in-place ops)
    delta_thresh = values[closest_neuron] - thresholds[closest_neuron]
    delta_weights = x - weights[closest_neuron]
    thresholds = thresholds.at[closest_neuron].add(delta_thresh * LR_THRESH * LR * r)
    weights = weights.at[closest_neuron].add(delta_weights * LR_WEIGHTS * LR * r)
    # recompute winner on the (unchanged) values, emit one-hot spike activation
    closest_neuron2 = jnp.argmin(values)
    activation = jnp.zeros((NUM_NEURONS,), dtype=jnp.float32).at[closest_neuron2].set(1.0)
    return activation

if __name__ == "__main__":
    import jax
    _d = setup_inputs()
    print(jax.jit(kernel)(*tuple(_d.values())))

</pallas_src>

<mosaic_0001>
#map = affine_map<(d0, d1) -> (0, 0)>
#map1 = affine_map<(d0, d1) -> (0)>
module attributes {stable_mosaic.version = 14 : i64} {
  func.func @_sc_body(%arg0: i32, %arg1: i32, %arg2: memref<8192x256xf32, #tpu.memory_space<hbm>>, %arg3: memref<256xf32, #tpu.memory_space<hbm>>, %arg4: memref<32x16xf32, #tpu.memory_space<hbm>>, %arg5: memref<32x16xi32, #tpu.memory_space<hbm>>, %arg6: memref<32x256xf32, #tpu.memory_space<vmem>>, %arg7: memref<32x256xf32, #tpu.memory_space<vmem>>, %arg8: memref<256xf32, #tpu.memory_space<vmem>>, %arg9: memref<16xf32, #tpu.memory_space<vmem>>, %arg10: memref<16xi32, #tpu.memory_space<vmem>>, %arg11: memref<!tpu.dma_semaphore, #tpu.memory_space<semaphore_mem>>, %arg12: memref<!tpu.dma_semaphore, #tpu.memory_space<semaphore_mem>>) attributes {dimension_semantics = [#tpu.dimension_semantics<core_parallel>, #tpu.dimension_semantics<subcore_parallel>], iteration_bounds = array<i64: 1, 16>, scalar_prefetch = 0 : i64, scratch_operands = 7 : i64, tpu.core_type = #tpu.core_type<sc_vector_subcore>, window_params = [{transform_indices = #map}, {transform_indices = #map1}, {transform_indices = #map}, {transform_indices = #map}]} {
    %mul3A = arith.constant 16 : i32
    %mul3A_0 = arith.muli %arg0, %mul3A : i32
    %add3A = arith.addi %mul3A_0, %arg1 : i32
    %mul3A_1 = arith.constant 256 : i32
    %mul3A_2 = arith.muli %add3A, %mul3A_1 : i32
    "tpu.region"() ({
      %run_scoped3A = tpu.sem_alloc : memref<!tpu.dma_semaphore, #tpu.memory_space<semaphore_mem>>
      tpu.enqueue_dma source(%arg3 : memref<256xf32, #tpu.memory_space<hbm>>) target(%arg8 : memref<256xf32, #tpu.memory_space<vmem>>) target_semaphore(%run_scoped3A : memref<!tpu.dma_semaphore, #tpu.memory_space<semaphore_mem>>)
      tpu.wait_dma2 semaphore(%run_scoped3A : memref<!tpu.dma_semaphore, #tpu.memory_space<semaphore_mem>>) src(%arg3 : memref<256xf32, #tpu.memory_space<hbm>>) dst(%arg8 : memref<256xf32, #tpu.memory_space<vmem>>)
      tpu.yield
    }) : () -> ()
    %get3A = arith.constant 0 : index
    %get3A_3 = tpu.vector_load %arg8[%get3A] {strides = array<i32>} : memref<256xf32, #tpu.memory_space<vmem>>, vector<16xf32>,
    %get3A_4 = arith.constant 16 : index
    %get3A_5 = tpu.vector_load %arg8[%get3A_4] {strides = array<i32>} : memref<256xf32, #tpu.memory_space<vmem>>, vector<16xf32>,
    %get3A_6 = arith.constant 32 : index
    %get3A_7 = tpu.vector_load %arg8[%get3A_6] {strides = array<i32>} : memref<256xf32, #tpu.memory_space<vmem>>, vector<16xf32>,
    %get3A_8 = arith.constant 48 : index
    %get3A_9 = tpu.vector_load %arg8[%get3A_8] {strides = array<i32>} : memref<256xf32, #tpu.memory_space<vmem>>, vector<16xf32>,
    %get3A_10 = arith.constant 64 : index
    %get3A_11 = tpu.vector_load %arg8[%get3A_10] {strides = array<i32>} : memref<256xf32, #tpu.memory_space<vmem>>, vector<16xf32>,
    %get3A_12 = arith.constant 80 : index
    %get3A_13 = tpu.vector_load %arg8[%get3A_12] {strides = array<i32>} : memref<256xf32, #tpu.memory_space<vmem>>, vector<16xf32>,
    %get3A_14 = arith.constant 96 : index
    %get3A_15 = tpu.vector_load %arg8[%get3A_14] {strides = array<i32>} : memref<256xf32, #tpu.memory_space<vmem>>, vector<16xf32>,
    %get3A_16 = arith.constant 112 : index
    %get3A_17 = tpu.vector_load %arg8[%get3A_16] {strides = array<i32>} : memref<256xf32, #tpu.memory_space<vmem>>, vector<16xf32>,
    %get3A_18 = arith.constant 128 : index
    %get3A_19 = tpu.vector_load %arg8[%get3A_18] {strides = array<i32>} : memref<256xf32, #tpu.memory_space<vmem>>, vector<16xf32>,
    %get3A_20 = arith.constant 144 : index
    %get3A_21 = tpu.vector_load %arg8[%get3A_20] {strides = array<i32>} : memref<256xf32, #tpu.memory_space<vmem>>, vector<16xf32>,
    %get3A_22 = arith.constant 160 : index
    %get3A_23 = tpu.vector_load %arg8[%get3A_22] {strides = array<i32>} : memref<256xf32, #tpu.memory_space<vmem>>, vector<16xf32>,
    %get3A_24 = arith.constant 176 : index
    %get3A_25 = tpu.vector_load %arg8[%get3A_24] {strides = array<i32>} : memref<256xf32, #tpu.memory_space<vmem>>, vector<16xf32>,
    %get3A_26 = arith.constant 192 : index
    %get3A_27 = tpu.vector_load %arg8[%get3A_26] {strides = array<i32>} : memref<256xf32, #tpu.memory_space<vmem>>, vector<16xf32>,
    %get3A_28 = arith.constant 208 : index
    %get3A_29 = tpu.vector_load %arg8[%get3A_28] {strides = array<i32>} : memref<256xf32, #tpu.memory_space<vmem>>, vector<16xf32>,
    %get3A_30 = arith.constant 224 : index
    %get3A_31 = tpu.vector_load %arg8[%get3A_30] {strides = array<i32>} : memref<256xf32, #tpu.memory_space<vmem>>, vector<16xf32>,
    %get3A_32 = arith.constant 240 : index
    %get3A_33 = tpu.vector_load %arg8[%get3A_32] {strides = array<i32>} : memref<256xf32, #tpu.memory_space<vmem>>, vector<16xf32>,
    %broadcast_in_dim3A = arith.constant 0x7F800000 : f32
    %broadcast_in_dim3A_34 = vector.broadcast %broadcast_in_dim3A : f32 to vector<16xf32>
    %swap3A = arith.constant 0 : index
    %swap3A_35 = tpu.vector_load %arg9[%swap3A] {strides = array<i32>} : memref<16xf32, #tpu.memory_space<vmem>>, vector<16xf32>,
    tpu.vector_store %arg9[%swap3A], %broadcast_in_dim3A_34 {strides = array<i32>} : memref<16xf32, #tpu.memory_space<vmem>>, vector<16xf32>,
    %broadcast_in_dim3A_36 = arith.constant 0 : i32
    %broadcast_in_dim3A_37 = vector.broadcast %broadcast_in_dim3A_36 : i32 to vector<16xi32>
    %swap3A_38 = arith.constant 0 : index
    %swap3A_39 = tpu.vector_load %arg10[%swap3A_38] {strides = array<i32>} : memref<16xi32, #tpu.memory_space<vmem>>, vector<16xi32>,
    tpu.vector_store %arg10[%swap3A_38], %broadcast_in_dim3A_37 {strides = array<i32>} : memref<16xi32, #tpu.memory_space<vmem>>, vector<16xi32>,
    "tpu.region"() ({
      %run_scoped3A = tpu.sem_alloc : memref<!tpu.dma_semaphore, #tpu.memory_space<semaphore_mem>>
      %dma_start3A = arith.constant 0 : i32
      %dma_start3A_40 = tpu.memref_slice %arg4[%add3A, %dma_start3A] : memref<32x16xf32, #tpu.memory_space<hbm>> -> memref<1x16xf32, #tpu.memory_space<hbm>>
      %dma_start3A_41 = tpu.memref_squeeze %dma_start3A_40 : memref<1x16xf32, #tpu.memory_space<hbm>> -> memref<16xf32, #tpu.memory_space<hbm>>
      %dma_start3A_42 = arith.constant 0 : i32
      %dma_start3A_43 = tpu.memref_slice %arg4[%add3A, %dma_start3A_42] : memref<32x16xf32, #tpu.memory_space<hbm>> -> memref<1x16xf32, #tpu.memory_space<hbm>>
      %dma_start3A_44 = tpu.memref_squeeze %dma_start3A_43 : memref<1x16xf32, #tpu.memory_space<hbm>> -> memref<16xf32, #tpu.memory_space<hbm>>
      tpu.enqueue_dma source(%arg9 : memref<16xf32, #tpu.memory_space<vmem>>) target(%dma_start3A_44 : memref<16xf32, #tpu.memory_space<hbm>>) target_semaphore(%run_scoped3A : memref<!tpu.dma_semaphore, #tpu.memory_space<semaphore_mem>>)
      %dma_wait3A = arith.constant 0 : i32
      %dma_wait3A_45 = tpu.memref_slice %arg4[%add3A, %dma_wait3A] : memref<32x16xf32, #tpu.memory_space<hbm>> -> memref<1x16xf32, #tpu.memory_space<hbm>>
      %dma_wait3A_46 = tpu.memref_squeeze %dma_wait3A_45 : memref<1x16xf32, #tpu.memory_space<hbm>> -> memref<16xf32, #tpu.memory_space<hbm>>
      %dma_wait3A_47 = arith.constant 0 : i32
      %dma_wait3A_48 = tpu.memref_slice %arg4[%add3A, %dma_wait3A_47] : memref<32x16xf32, #tpu.memory_space<hbm>> -> memref<1x16xf32, #tpu.memory_space<hbm>>
      %dma_wait3A_49 = tpu.memref_squeeze %dma_wait3A_48 : memref<1x16xf32, #tpu.memory_space<hbm>> -> memref<16xf32, #tpu.memory_space<hbm>>
      tpu.wait_dma2 semaphore(%run_scoped3A : memref<!tpu.dma_semaphore, #tpu.memory_space<semaphore_mem>>) src(%arg9 : memref<16xf32, #tpu.memory_space<vmem>>) dst(%dma_wait3A_49 : memref<16xf32, #tpu.memory_space<hbm>>)
      tpu.yield
    }) : () -> ()
    "tpu.region"() ({
      %run_scoped3A = tpu.sem_alloc : memref<!tpu.dma_semaphore, #tpu.memory_space<semaphore_mem>>
      %dma_start3A = arith.constant 0 : i32
      %dma_start3A_40 = tpu.memref_slice %arg5[%add3A, %dma_start3A] : memref<32x16xi32, #tpu.memory_space<hbm>> -> memref<1x16xi32, #tpu.memory_space<hbm>>
      %dma_start3A_41 = tpu.memref_squeeze %dma_start3A_40 : memref<1x16xi32, #tpu.memory_space<hbm>> -> memref<16xi32, #tpu.memory_space<hbm>>
      %dma_start3A_42 = arith.constant 0 : i32
      %dma_start3A_43 = tpu.memref_slice %arg5[%add3A, %dma_start3A_42] : memref<32x16xi32, #tpu.memory_space<hbm>> -> memref<1x16xi32, #tpu.memory_space<hbm>>
      %dma_start3A_44 = tpu.memref_squeeze %dma_start3A_43 : memref<1x16xi32, #tpu.memory_space<hbm>> -> memref<16xi32, #tpu.memory_space<hbm>>
      tpu.enqueue_dma source(%arg10 : memref<16xi32, #tpu.memory_space<vmem>>) target(%dma_start3A_44 : memref<16xi32, #tpu.memory_space<hbm>>) target_semaphore(%run_scoped3A : memref<!tpu.dma_semaphore, #tpu.memory_space<semaphore_mem>>)
      %dma_wait3A = arith.constant 0 : i32
      %dma_wait3A_45 = tpu.memref_slice %arg5[%add3A, %dma_wait3A] : memref<32x16xi32, #tpu.memory_space<hbm>> -> memref<1x16xi32, #tpu.memory_space<hbm>>
      %dma_wait3A_46 = tpu.memref_squeeze %dma_wait3A_45 : memref<1x16xi32, #tpu.memory_space<hbm>> -> memref<16xi32, #tpu.memory_space<hbm>>
      %dma_wait3A_47 = arith.constant 0 : i32
      %dma_wait3A_48 = tpu.memref_slice %arg5[%add3A, %dma_wait3A_47] : memref<32x16xi32, #tpu.memory_space<hbm>> -> memref<1x16xi32, #tpu.memory_space<hbm>>
      %dma_wait3A_49 = tpu.memref_squeeze %dma_wait3A_48 : memref<1x16xi32, #tpu.memory_space<hbm>> -> memref<16xi32, #tpu.memory_space<hbm>>
      tpu.wait_dma2 semaphore(%run_scoped3A : memref<!tpu.dma_semaphore, #tpu.memory_space<semaphore_mem>>) src(%arg10 : memref<16xi32, #tpu.memory_space<vmem>>) dst(%dma_wait3A_49 : memref<16xi32, #tpu.memory_space<hbm>>)
      tpu.yield
    }) : () -> ()
    return
  }
}

module attributes {stable_mosaic.version = 14 : i64} {
  func.func @_merge_body(%arg0: memref<32x16xf32, #tpu.memory_space<vmem>>, %arg1: memref<32x16xi32, #tpu.memory_space<vmem>>, %arg2: memref<64x128xf32, #tpu.memory_space<vmem>>) attributes {dimension_semantics = [], scalar_prefetch = 0 : i64, scratch_operands = 0 : i64, tpu.core_type = #tpu.core_type<tc>} {
    %get3A = arith.constant 0 : index
    %get3A_0 = arith.constant 0 : index
    %get3A_1 = vector.load %arg0[%get3A, %get3A_0] : memref<32x16xf32, #tpu.memory_space<vmem>>, vector<32x16xf32>
    %get3A_2 = arith.constant 0 : index
    %get3A_3 = arith.constant 0 : index
    %get3A_4 = vector.load %arg1[%get3A_2, %get3A_3] : memref<32x16xi32, #tpu.memory_space<vmem>>, vector<32x16xi32>
    %reduce_min3A = vector.shape_cast %get3A_1 : vector<32x16xf32> to vector<1x32x16xf32>
    %reduce_min3A_5 = arith.constant dense<0x7F800000> : vector<1xf32>
    %reduce_min3A_6 = vector.multi_reduction <minimumf>, %reduce_min3A, %reduce_min3A_5 [1, 2] : vector<1x32x16xf32> to vector<1xf32>
    %reduce_min3A_7 = vector.shape_cast %reduce_min3A_6 : vector<1xf32> to vector<1x1x1xf32>
    %reduce_min3A_8 = vector.extract %reduce_min3A_7[0, 0, 0] : f32 from vector<1x1x1xf32>
    %eq3A = vector.broadcast %reduce_min3A_8 : f32 to vector<32x16xf32>
    %eq3A_9 = arith.cmpf oeq, %get3A_1, %eq3A : vector<32x16xf32>
    %jit3A = arith.constant 8192 : i32
    %broadcast_in_dim3A = vector.broadcast %jit3A : i32 to vector<32x16xi32>
    %select_n3A = arith.select %eq3A_9, %get3A_4, %broadcast_in_dim3A : vector<32x16xi1>, vector<32x16xi32>
    %reduce_min3A_10 = vector.shape_cast %select_n3A : vector<32x16xi32> to vector<1x32x16xi32>
    %reduce_min3A_11 = arith.constant dense<2147483647> : vector<1xi32>
    %reduce_min3A_12 = vector.multi_reduction <minsi>, %reduce_min3A_10, %reduce_min3A_11 [1, 2] : vector<1x32x16xi32> to vector<1xi32>
    %reduce_min3A_13 = vector.shape_cast %reduce_min3A_12 : vector<1xi32> to vector<1x1x1xi32>
    %reduce_min3A_14 = vector.extract %reduce_min3A_13[0, 0, 0] : i32 from vector<1x1x1xi32>
    %iota3A = tpu.iota {dimensions = array<i32: 0>} : vector<64x128xi32>
    %iota3A_15 = tpu.iota {dimensions = array<i32: 1>} : vector<64x128xi32>
    %mul3A = arith.constant 128 : i32
    %mul3A_16 = vector.broadcast %mul3A : i32 to vector<64x128xi32>
    %mul3A_17 = arith.muli %iota3A, %mul3A_16 : vector<64x128xi32>
    %add3A = arith.addi %mul3A_17, %iota3A_15 : vector<64x128xi32>
    %eq3A_18 = vector.broadcast %reduce_min3A_14 : i32 to vector<64x128xi32>
    %eq3A_19 = arith.cmpi eq, %add3A, %eq3A_18 : vector<64x128xi32>
    %convert_element_type3A = arith.extui %eq3A_19 : vector<64x128xi1> to vector<64x128xi32>
    %convert_element_type3A_20 = arith.sitofp %convert_element_type3A : vector<64x128xi32> to vector<64x128xf32>
    %swap3A = arith.constant 0 : index
    %swap3A_21 = arith.constant 0 : index
    %swap3A_22 = vector.load %arg2[%swap3A, %swap3A_21] : memref<64x128xf32, #tpu.memory_space<vmem>>, vector<64x128xf32>
    tpu.vector_store %arg2[%swap3A, %swap3A_21], %convert_element_type3A_20 {strides = array<i32>} : memref<64x128xf32, #tpu.memory_space<vmem>>, vector<64x128xf32>,
    return
  }
}

</mosaic_0001>

<sc_bundles>
// kernel: kernel.4.cloned.1.call-start
scs
__scs_entry_jumppad:
0x0: {  	(pc) =	sbr.rel $0x88, $3  }
0x1: {  	(tag) =	ssettag $0x0;
	lr =	simm.s32 $0x1  }
0x2: {  	[smem:$0x3F9F] =	sst lr;
	_ =	strace $0xD0000000  }
0x3: {  	_ = 	snop  }
0x4: {  	_ = 	snop  }
0x5: {  	_ = 	snop  }
0x6: {  	_ = 	snop  }
0x7: {  	_ = 	snop  }
__scs_overlays_trampoline_lowered:
0x8: {  	[smem:$0x3FAE] =	sst s0  }
0x9: {  	[smem:$0x3FAF] =	sst s1  }
0xa: {  	[smem:$0x3FB0] =	sst s2  }
0xb: {  	[smem:$0x3FB1] =	sst s3  }
0xc: {  	[smem:$0x3FB2] =	sst s4  }
0xd: {  	[smem:$0x3FB3] =	sst s5  }
0xe: {  	[smem:$0x3FB4] =	sst s6  }
0xf: {  	[smem:$0x3FB5] =	sst s7  }
0x10: {  	[smem:$0x3FB6] =	sst s8  }
0x11: {  	[smem:$0x3FB7] =	sst s9;
	s0 =	simm.s32 @!p0 $0x0  }
0x12: {  	s1 =	sld [smem:$0x3F9D];
	s0 =	simm.s32 @p0 $0x1  }
0x13: {  	[smem:$0x3FB8] =	sst s0;
	s0 =	simm.s32 @!p1 $0x0  }
0x14: {  	s2 =	sld [smem:$0x3F9C];
	s0 =	simm.s32 @p1 $0x1  }
0x15: {  	[smem:$0x3FB9] =	sst s0;
	s0 =	simm.s32 @!p2 $0x0  }
0x16: {  	s3 =	sld [smem:$0x3FDB];
	s0 =	simm.s32 @p2 $0x1  }
0x17: {  	s4 =	simm.s32 $0x1BF5;
	[smem:$0x3FBB] =	sst s0  }
0x18: {  	s0 =	sld [smem:$0x3F9E];
	_ =	swait.ge [sflag:s4], $0x0  }
0x19: {  	s7 =	sld [smem:$0x3F9F]  }
0x1a: {  	s8 =	sadd.s32 $0xFFFFE003, lr  }
0x1b: {  	s9 =	sadd.s32 $0xFFFFFEF7, lr;
	s5 =	simm.s32 $0xFFFFFFFF;
	p2 =	slt.u32 s8, $0xFFFFF086  }
0x1c: {  	p1 =	slt.u32 s9, $0xF7A;
	s5 =	simm.s32 @!p2 $0x0  }
0x1d: {  	s5 =	simm.s32 @p1 $0x1;
	p0 =	seq.s32 s7, s2  }
0x1e: {  	s7 =	smul.u32 @!p0 $0xF7A, s2;
	p2 =	seq.s32 @!p0 s5, $0x0  }
0x1f: {  	s9 =	smul.u32 $0xF7A, s1;
	s8 =	simm.s32 @!p0 $0x1BF5;
	p2 =	por !p2, p0  }
0x20: {  	[sflag:s8] =	ssyncset.s32 @!p0 $0xFFFFF086;
	s6 =	sadd.s32 @!p0 s3, s7;
	s7 =	simm.s32 @!p0 $0x108  }
0x21: {  	s3 =	sadd.s32 s3, s9;
	s6 =	sadd.s32 @!p0 $0x88, s6;
	s7 =	simm.s32 @p2 $0x1082  }
0x22: {  	[simem:s7], [sflag:s8] =	dma.local @!p0 [hbm:s6], $0xF7A  }
0x23: {  	s9 =	sor.u32 $0xD0000000, s2;
	s6 =	simm.s32 $0x108;
	_ =	swait.ge @!p0 [sflag:s8], $0x0  }
0x24: {  	s3 =	sadd.s32 $0x88, s3;
	s6 =	simm.s32 @!p1 $0x1082;
	[sflag:s4] =	ssyncset.s32 $0xFFFFF086  }
0x25: {  	[simem:s6], [sflag:s4] =	dma.local [hbm:s3], $0xF7A  }
0x26: {  	[smem:$0x3F9F] =	sst s1;
	(tag) =	ssettag s2;
	_ =	strace s9  }
0x27: {  	s1 =	sld [smem:$0x3FAF]  }
0x28: {  	s2 =	sld [smem:$0x3FB0]  }
0x29: {  	s4 =	sld [smem:$0x3FB2]  }
0x2a: {  	p0 =	seq.s32 s5, $0x0;
	s5 =	sld [smem:$0x3FB3]  }
0x2b: {  	s6 =	sld [smem:$0x3FB4]  }
0x2c: {  	s7 =	sld [smem:$0x3FB5]  }
0x2d: {  	s3 =	simm.s32 $0x108;
	s8 =	sld [smem:$0x3FB6]  }
0x2e: {  	s3 =	simm.s32 @!p0 $0x1082;
	s9 =	sld [smem:$0x3FB7]  }
0x2f: {  	lr =	sadd.s32 s0, s3;
	s0 =	sld [smem:$0x3FAE]  }
0x30: {  	s3 =	sld [smem:$0x3FB1]  }
0x31: {  	[smem:$0x3FBA] =	sst s10  }
0x32: {  	s10 =	sld [smem:$0x3FB8];
	_ =	sdelay $0x3  }
0x33: {  	p0 =	seq.s32 s10, $0x1;
	s10 =	sld [smem:$0x3FBA];
	_ =	sdelay $0x3  }
0x34: {  	[smem:$0x3FBA] =	sst s10  }
0x35: {  	s10 =	sld [smem:$0x3FB9];
	_ =	sdelay $0x3  }
0x36: {  	p1 =	seq.s32 s10, $0x1;
	s10 =	sld [smem:$0x3FBA];
	_ =	sdelay $0x3  }
0x37: {  	[smem:$0x3FBA] =	sst s10  }
0x38: {  	s10 =	sld [smem:$0x3FBB]  }
0x39: {  	_ = 	snop;
	(pc) =	sbr.ind lr, $3  }
0x3a: {  	_ = 	snop  }
0x3b: {  	_ = 	snop  }
0x3c: {  	p2 =	seq.s32 s10, $0x1;
	s10 =	sld [smem:$0x3FBA]  }
0x3d: {  	_ =	shalt  }
0x3e: {  	_ =	shalt  }
0x3f: {  	_ =	shalt  }
0x40: {  	_ =	shalt  }
0x41: {  	_ =	shalt  }
0x42: {  	_ =	shalt  }
0x43: {  	_ =	shalt  }
0x44: {  	_ =	shalt  }
0x45: {  	_ =	shalt  }
0x46: {  	_ =	shalt  }
0x47: {  	_ =	shalt  }
0x48: {  	_ =	shalt  }
0x49: {  	_ =	shalt  }
0x4a: {  	_ =	shalt  }
0x4b: {  	_ =	shalt  }
0x4c: {  	_ =	shalt  }
0x4d: {  	_ =	shalt  }
0x4e: {  	_ =	shalt  }
0x4f: {  	_ =	shalt  }
0x50: {  	_ =	shalt  }
0x51: {  	_ =	shalt  }
0x52: {  	_ =	shalt  }
0x53: {  	_ =	shalt  }
0x54: {  	_ =	shalt  }
0x55: {  	_ =	shalt  }
0x56: {  	_ =	shalt  }
0x57: {  	_ =	shalt  }
0x58: {  	_ =	shalt  }
0x59: {  	_ =	shalt  }
0x5a: {  	_ =	shalt  }
0x5b: {  	_ =	shalt  }
0x5c: {  	_ =	shalt  }
0x5d: {  	_ =	shalt  }
0x5e: {  	_ =	shalt  }
0x5f: {  	_ =	shalt  }
0x60: {  	_ =	shalt  }
0x61: {  	_ =	shalt  }
0x62: {  	_ =	shalt  }
0x63: {  	_ =	shalt  }
0x64: {  	_ =	shalt  }
0x65: {  	_ =	shalt  }
0x66: {  	_ =	shalt  }
0x67: {  	_ =	shalt  }
0x68: {  	_ =	shalt  }
0x69: {  	_ =	shalt  }
0x6a: {  	_ =	shalt  }
0x6b: {  	_ =	shalt  }
0x6c: {  	_ =	shalt  }
0x6d: {  	_ =	shalt  }
0x6e: {  	_ =	shalt  }
0x6f: {  	_ =	shalt  }
0x70: {  	_ =	shalt  }
0x71: {  	_ =	shalt  }
0x72: {  	_ =	shalt  }
0x73: {  	_ =	shalt  }
0x74: {  	_ =	shalt  }
0x75: {  	_ =	shalt  }
0x76: {  	_ =	shalt  }
0x77: {  	_ =	shalt  }
0x78: {  	_ =	shalt  }
0x79: {  	_ =	shalt  }
0x7a: {  	_ =	shalt  }
0x7b: {  	_ =	shalt  }
0x7c: {  	_ =	shalt  }
0x7d: {  	_ =	shalt  }
0x7e: {  	_ =	shalt  }
0x7f: {  	_ =	shalt  }
0x80: {  	_ =	shalt  }
0x81: {  	_ =	shalt  }
0x82: {  	_ =	shalt  }
0x83: {  	_ =	shalt  }
0x84: {  	_ =	shalt  }
0x85: {  	_ =	shalt  }
0x86: {  	_ =	shalt  }
0x87: {  	_ =	shalt  }
.Lfunc_end0:
.L_simem_size_0:
called_computation_lowered:
.L_overlay_start_0:
0x88: {  	s0 =	sld [smem:$0x3FD9]  }
0x89: {  	s1 =	sld [smem:$0x3FFE];
	_ =	sdelay $0x3  }
0x8a: {  	s0 =	sadd.s32 s1, s0  }
0x8b: {  	[smem:$0x3FC6] =	sst s0  }
0x8c: {  	_ = 	snop  }
0x8d: {  	s0 =	sld [smem:$0x3FC9]  }
0x8e: {  	s16 =	sld [smem:$0x3FD0];
	(tm) =	ssettm $0x1  }
0x8f: {  	s2 =	sld [smem:$0x3FFB];
	_ =	sdelay $0x3  }
0x90: {  	_ =	strace s2  }
0x91: {  	s2 =	sld [smem:$0x3FFC];
	_ =	sdelay $0x3  }
0x92: {  	_ =	strace s2  }
0x93: {  	s2 =	sld [smem:$0x3FFD];
	_ =	sdelay $0x3  }
0x94: {  	_ =	strace s2  }
0x95: {  	_ =	strace $0x8FFFFFFF  }
0x96: {  	s17 =	sld [smem:$0x3FDB];
	_ =	sdelay $0x1  }
0x97: {  	s3 =	simm.s32 $_scs_section_size  }
0x98: {  	s4 =	simm.s32 $_size__tile_overlayer_lowered;
	s5 =	simm.s32 $_tile_overlayer_lowered  }
0x99: {  	s20 =	simm.s32 $0x1BFF;
	s19 =	sshll.u32 s5, $0x1;
	s2 =	sadd.s32 s3, s17  }
0x9a: {  	s6 =	simm.s32 $0x0;
	s18 =	sshll.u32 s4, $0x1;
	s4 =	sadd.s32 s19, s2  }
0x9b: {  	[timem:s6], [sflag:s20] =	dma.local [hbm:s4], s18  }
0x9c: {  	_ =	swait.ge [sflag:s20], s18  }
0x9d: {  	s3 =	ssub.s32 $0x0, s18;
	[sflag:s20] =	ssyncset.done $0x0  }
0x9e: {  	[sflag:s20] =	ssyncadd.s32 s3;
	_ =	sdelay $0x1  }
0x9f: {  	s21 =	simm.s32 $0x1B8B  }
0xa0: {  	_ =	swait.ge [sflag:s21], $0x1  }
0xa1: {  	[sflag:s21] =	ssyncset.done $0x0  }
0xa2: {  	s23 =	simm.s32 $0x1B8E;
	s22 =	sld [smem:$0x3FFE];
	[sflag:s21] =	ssyncadd.s32 $0xFFFFFFFF  }
0xa3: {  	s24 =	simm.s32 $execute0_lowered;
	[smem:$0x3FD2] =	sst s23  }
0xa4: {  	s4 =	sshll.u32 s24, $0x1;
	_ =	strace $0x80000046;
	[dreg:$0x1] =	wrdreg $0xFFFFFFFF  }
0xa5: {  	s25 =	simm.s32 $_size_execute0_lowered;
	s2 =	sadd.s32 s2, s4;
	[dreg:$0x0] =	wrdreg $0x0  }
0xa6: {  	s4 =	sshll.u32 s25, $0x1;
	[dreg:$0x2] =	wrdreg s2  }
0xa7: {  	[dreg:$0x3] =	wrdreg s4  }
0xa8: {  	[dreg:$0x4] =	wrdreg $0xC0  }
0xa9: {  	_ =	task [dreg:s6], $0x5FFFF  }
0xaa: {  	[dreg:$0x1] =	wrdreg $0xFFFFFFFF  }
0xab: {  	[dreg:$0x0] =	wrdreg $0x60  }
0xac: {  	[dreg:$0x2] =	wrdreg s0  }
0xad: {  	[dreg:$0x3] =	wrdreg s16  }
0xae: {  	[dreg:$0x4] =	wrdreg s22  }
0xaf: {  	[dreg:$0x5] =	wrdreg $0x9  }
0xb0: {  	_ =	task.clear_ibuf [dreg:s6], $0x6FFFF;
	_ =	strace $0x90000046  }
0xb1: {  	s26 =	simm.s32 $0x9;
	_ =	strace $0x80000048  }
0xb2: {  	_ =	swait.ge [sflag:s26], $0x1  }
0xb3: {  	[sflag:s26] =	ssyncadd.s32 $0xFFFFFFFF  }
0xb4: {  	_ =	strace $0x90000048  }
0xb5: {  	_ =	sfence  }
0xb6: {  	s28 =	sld [smem:$0x0];
	_ =	sdelay $0x1  }
0xb7: {  	s29 =	srdreg.scid  }
0xb8: {  	s30 =	sshll.u32 s29, $0xD;
	s31 =	sshrl.u32 s29, $0x2  }
0xb9: {  	s1 =	sand.u32 $0x1, s29;
	s2 =	sand.u32 $0x4000, s30;
	s0 =	sadd.s32 s31, s28  }
0xba: {  	s1 =	sor.u32 s2, s1;
	s0 =	sshll.u32 s0, $0x11  }
0xbb: {  	s0 =	sor.u32 s0, s1  }
0xbc: {  	s0 =	sadd.s32 $0x8F2B, s0  }
0xbd: {  	[sflag:s0] =	ssyncadd.remote.s32 $0x1  }
0xbe: {  	_ =	sfence.sel $0xFFFF  }
0xbf: {  	[dreg:$0x0] =	wrdreg $0xFFFFFFFF;
	(pc) =	sbr.abs _section_cstart, $3  }
0xc0: {  	[dreg:$0x1] =	wrdreg $0xFFFFFFFF  }
0xc1: {  	_ =	task.clear_ibuf [dreg:s6], $0x2FFFF;
	_ =	strace $0x9FFFFFFF  }
0xc2: {  	(tm) =	ssettm $0x7FFFFFFF  }
0xc3: {  	_ =	shalt  }
tec
execute0_lowered:
.L_overlay_start_1:
0x0: {  	(tag) =	ssettag $0x1  }
0x1: {  	s0 =	rddreg [dreg:$0x0]  }
0x2: {  	s1 =	rddreg [dreg:$0x1]  }
0x3: {  	s2 =	rddreg [dreg:$0x2];
	s4 =	simm.s32 $0x0  }
0x4: {  	[smem:$0x7FF] =	sst s4  }
0x5: {  	s3 =	rddreg [dreg:$0x3];
	s29 =	simm.s32 $0x1;
	_ =	strace $0x80000047  }
0x6: {  	[tilespmem:s4], [sflag:$0x1] =	stream.linear.gather [hbm4b:s0+s4], $0x100, $0x38;
	[tilespmem:$0x200] =	vst v63  }
0x7: {  	_ =	swait.ge [sflag:s29], $0x100  }
0x8: {  	[sflag:s29] =	ssyncset.done $0x0  }
0x9: {  	s5 =	stileid.u32;
	v0 =	vimm.f32 $+Inf;
	[sflag:s29] =	ssyncadd.s32 $0xFFFFFF00  }
0xa: {  	v63 =	vimm.s32 $0x0;
	s6 =	sshll.u32 s5, $0x4;
	[tilespmem:$0x100] =	vst v0  }
0xb: {  	s7 =	simm.s32 $0x100;
	s1 =	sadd.s32 s1, s6;
	[tilespmem:$0x180] =	vst v63  }
0xc: {  	[hbm4b:s1+s4] =	stream.linear.scatter [tilespmem:s7], [sflag:$0x1], $0x80, $0x38;
	[tilespmem:$0x200] =	vst v63  }
0xd: {  	_ =	swait.ge [sflag:s29], $0x80  }
0xe: {  	s30 =	sadd.s32 s6, s2;
	[sflag:s29] =	ssyncset.done $0x0  }
0xf: {  	s31 =	simm.s32 $0x180;
	s1 =	sadd.s32 $0xC00, s30;
	[sflag:s29] =	ssyncadd.s32 $0xFFFFFF80  }
0x10: {  	[hbm4b:s1+s4] =	stream.linear.scatter [tilespmem:s31], [sflag:$0x1], $0x80, $0x38;
	[tilespmem:$0x200] =	vst v63  }
0x11: {  	_ =	swait.ge [sflag:s29], $0x80  }
0x12: {  	[sflag:s29] =	ssyncset.done $0x0  }
0x13: {  	[sflag:s29] =	ssyncadd.s32 $0xFFFFFF80  }
0x14: {  	_ =	sfence.sel $0x180000  }
0x15: {  	[bflag:$0x0] =	sbarrier.arrive $0xFFFF  }
0x16: {  	p0 =	sne.s32 s5, $0x0;
	_ =	strace $0x90000047  }
0x17: {  	s0 =	sadd.s32 @!p0 $0x100000, s3;
	[bflag:$0x2] =	sbarrier.arrive $0xFFFF  }
0x18: {  	[sflag:s0] =	ssyncadd.tile.s32 @!p0 $0x1;
	_ =	shalt  }
.Lfunc_end2:
_tile_overlayer_lowered:
.L_overlay_start_2:
0x19: {  	(tag) =	ssettag $0x2  }
0x1a: {  	s0 =	rddreg [dreg:$0x0];
	s2 =	stileid.u32  }
0x1b: {  	s1 =	rddreg [dreg:$0x1];
	p0 =	sne.s32 s2, $0x0  }
0x1c: {  	s3 =	rddreg [dreg:$0x2];
	[bflag:$0x3] =	sbarrier.arrive $0xFFFF;
	s2 =	simm.s32 @!p0 $0x1C01  }
0x1d: {  	[timem:s3], [sflag:s2] =	dma.local @!p0 [hbm:s0], s1  }
0x1e: {  	s0 =	simm.s32 @!p0 $0x1  }
0x1f: {  	_ =	swait.ge @!p0 [sflag:s0], s1  }
0x20: {  	s1 =	ssub.s32 @!p0 $0x0, s1;
	[sflag:s0] =	ssyncset.done @!p0 $0x0  }
0x21: {  	[sflag:s0] =	ssyncadd.s32 @!p0 s1  }
0x22: {  	[bflag:$0x3] =	sbarrier.arrive $0xFFFF  }
0x23: {  	_ =	shalt  }

</sc_bundles>
